<compile_context>
chip_gen: v7x
topology: tpu7x:2x2x1
jax: 0.10.2.dev20260603
libtpu: 0.0.44.dev20260713+nightly
codegen_flags: <defaults>
</compile_context>

<pallas_src>
import functools

import jax
import jax.numpy as jnp
import numpy as np
from jax import lax
from jax.experimental import pallas as pl
from jax.experimental.pallas import tpu as pltpu
from jax.experimental.pallas import tpu_sc as plsc

_B, _N, _D = 16, 100000, 6
_K = 8192
_NC, _NS = 2, 16
_NW = _NC * _NS
_NPLANES = _D * _B
_PPW = _NPLANES // _NW
_L = 16
_NG = _K // _L
_QB = (0, 25088, 50176, 75264, _N)
_NQ = len(_QB) - 1
_NALN = 99968
_TAILSTART = _N - 128
_TAIL = 128


def _perm_idx():
    perm = jax.random.permutation(jax.random.key(42), _N)
    return perm[:_K].astype(jnp.int32)


try:
    with jax.default_device(jax.local_devices(backend="cpu")[0]):
        _IDX = np.asarray(jax.device_get(_perm_idx()))
except Exception:
    _IDX = None


def _partition_by_quarter(idx):
    srcs, dsts, offs, trips = [], [], [], []
    off = 0
    for q in range(_NQ):
        sel = np.where((idx >= _QB[q]) & (idx < _QB[q + 1]))[0].astype(np.int32)
        src = idx[sel]
        pad = (-len(sel)) % _L
        src = np.concatenate([src, np.full(pad, _QB[q], np.int32)])
        dst = np.concatenate([sel, (_K + np.arange(pad)).astype(np.int32)])
        srcs.append(src)
        dsts.append(dst)
        offs.append(off)
        trips.append(len(src) // _L)
        off += len(src)
    return (np.concatenate(srcs), np.concatenate(dsts), tuple(offs),
            tuple(trips))


_PART = _partition_by_quarter(_IDX) if _IDX is not None else None


def _sc_gather_pipelined(points_t, tail, src, dst, offs, trips):
    mesh = plsc.VectorSubcoreMesh(core_axis_name="c", subcore_axis_name="s")
    tot = src.shape[0]

    @functools.partial(
        pl.kernel,
        out_type=jax.ShapeDtypeStruct((_D, _B, _K), jnp.float32),
        mesh=mesh,
        scratch_types=[
            pltpu.VMEM((_N,), jnp.float32),
            pltpu.VMEM((_K + _L,), jnp.float32),
            pltpu.VMEM((tot,), jnp.int32),
            pltpu.VMEM((tot,), jnp.int32),
            pltpu.SemaphoreType.DMA,
        ],
        compiler_params=pltpu.CompilerParams(needs_layout_passes=False),
    )
    def run(pts_hbm, tail_hbm, src_hbm, dst_hbm, out_hbm, plane_v, out_v,
            src_v, dst_v, sem):
        wid = lax.axis_index("s") * _NC + lax.axis_index("c")
        pltpu.sync_copy(src_hbm, src_v)
        pltpu.sync_copy(dst_hbm, dst_v)
        def plane_body(i, _):
            p = wid * _PPW + i
            c = p // _B
            b = p % _B
            spans = [(_QB[q], min(_QB[q + 1], _NALN) - _QB[q])
                     for q in range(_NQ)]
            cps = [
                pltpu.async_copy(
                    pts_hbm.at[c, b, pl.ds(s, n)],
                    plane_v.at[pl.ds(s, n)],
                    sem,
                )
                for s, n in spans
            ]
            tail_cp = pltpu.async_copy(
                tail_hbm.at[pl.ds(pl.multiple_of(p * _TAIL, _TAIL), _TAIL)],
                plane_v.at[pl.ds(_TAILSTART, _TAIL)],
                sem,
            )
            for q in range(_NQ):
                cps[q].wait()
                if q == _NQ - 1:
                    tail_cp.wait()
                off = offs[q]

                def body(g, off=off):
                    at = pl.ds(off + g * _L, _L)
                    vals = plsc.load_gather(plane_v, [src_v[at]])
                    plsc.store_scatter(out_v, [dst_v[at]], vals)

                plsc.parallel_loop(0, trips[q], 1, unroll=8)(body)
            pltpu.sync_copy(out_v.at[pl.ds(0, _K)], out_hbm.at[c, b])
            return _

        lax.fori_loop(0, _PPW, plane_body, 0)

    return run(points_t, tail, src, dst)


def _sc_gather_uniform(points_t, idx):
    mesh = plsc.VectorSubcoreMesh(core_axis_name="c", subcore_axis_name="s")

    @functools.partial(
        pl.kernel,
        out_type=jax.ShapeDtypeStruct((_D, _B, _K), jnp.float32),
        mesh=mesh,
        scratch_types=[
            pltpu.VMEM((_N,), jnp.float32),
            pltpu.VMEM((_K,), jnp.float32),
            pltpu.VMEM((_K,), jnp.int32),
            pltpu.SemaphoreType.DMA,
        ],
        compiler_params=pltpu.CompilerParams(needs_layout_passes=False),
    )
    def run(pts_hbm, idx_hbm, out_hbm, plane_v, out_v, idx_v, sem):
        wid = lax.axis_index("s") * _NC + lax.axis_index("c")
        pltpu.sync_copy(idx_hbm, idx_v)
        for i in range(_PPW):
            p = wid * _PPW + i
            c = p // _B
            b = p % _B
            pltpu.sync_copy(pts_hbm.at[c, b], plane_v)

            def body(g, _):
                at = pl.ds(g * _L, _L)
                out_v[at] = plsc.load_gather(plane_v, [idx_v[at]])
                return _

            lax.fori_loop(0, _NG, body, 0)
            pltpu.sync_copy(out_v, out_hbm.at[c, b])

    return run(points_t, idx)


def kernel(points):
    points_t = jnp.transpose(points, (2, 0, 1))
    if _PART is not None:
        src, dst, offs, trips = _PART
        tail = jnp.reshape(
            lax.slice(points_t, (0, 0, _TAILSTART), (_D, _B, _N)),
            (_D * _B * _TAIL,))
        out_t = _sc_gather_pipelined(points_t, tail, jnp.asarray(src),
                                     jnp.asarray(dst), offs, trips)
    else:
        out_t = _sc_gather_uniform(points_t, _perm_idx())
    return jnp.transpose(out_t, (1, 2, 0))

# --- scband reference (transcript-rebuilt; emitter-appended) ---
"""Pipeline reference for scband-pointcloud-subsampling-62603443306512 (READ-ONLY COPY).

The authoritative reference and input builder live on the scoring server;
editing this copy changes nothing except your own understanding.
"""

import jax, jax.numpy as jnp
import numpy as np

NUM_POINTS = 8192

def setup_inputs(seed: int = 0) -> dict:
    key = jax.random.key(seed)
    points = jax.random.normal(key, (16, 100000, 6), dtype=jnp.float32)
    return {"points": points}

def reference(points):
    # strategy == 'random': points[:, torch.randperm(N)[:num_points]]
    # deterministic jax translation: fixed-key permutation of the point axis,
    # then gather the first NUM_POINTS indices for every batch element.
    n = points.shape[1]
    perm_key = jax.random.key(42)
    perm = jax.random.permutation(perm_key, n)
    idx = perm[:NUM_POINTS]
    out = jnp.take(points, idx, axis=1)
    return out

if __name__ == "__main__":
    import jax
    _d = setup_inputs()
    print(jax.jit(kernel)(*tuple(_d.values())))

</pallas_src>

<mosaic_0001>
#map = affine_map<(d0, d1) -> (0, 0, 0)>
#map1 = affine_map<(d0, d1) -> (0)>
module attributes {stable_mosaic.version = 14 : i64} {
  func.func @run(%arg0: i32, %arg1: i32, %arg2: memref<6x16x100000xf32, #tpu.memory_space<hbm>>, %arg3: memref<12288xf32, #tpu.memory_space<hbm>>, %arg4: memref<8224xi32, #tpu.memory_space<hbm>>, %arg5: memref<8224xi32, #tpu.memory_space<hbm>>, %arg6: memref<6x16x8192xf32, #tpu.memory_space<hbm>>, %arg7: memref<100000xf32, #tpu.memory_space<vmem>>, %arg8: memref<8208xf32, #tpu.memory_space<vmem>>, %arg9: memref<8224xi32, #tpu.memory_space<vmem>>, %arg10: memref<8224xi32, #tpu.memory_space<vmem>>, %arg11: memref<!tpu.dma_semaphore, #tpu.memory_space<semaphore_mem>>) attributes {dimension_semantics = [#tpu.dimension_semantics<core_parallel>, #tpu.dimension_semantics<subcore_parallel>], iteration_bounds = array<i64: 2, 16>, scalar_prefetch = 0 : i64, scratch_operands = 5 : i64, tpu.core_type = #tpu.core_type<sc_vector_subcore>, window_params = [{transform_indices = #map}, {transform_indices = #map1}, {transform_indices = #map1}, {transform_indices = #map1}, {transform_indices = #map}]} {
    %mul3A = arith.constant 2 : i32
    %mul3A_0 = arith.muli %arg1, %mul3A : i32
    %add3A = arith.addi %mul3A_0, %arg0 : i32
    "tpu.region"() ({
      %run_scoped3A = tpu.sem_alloc : memref<!tpu.dma_semaphore, #tpu.memory_space<semaphore_mem>>
      tpu.enqueue_dma source(%arg4 : memref<8224xi32, #tpu.memory_space<hbm>>) target(%arg9 : memref<8224xi32, #tpu.memory_space<vmem>>) target_semaphore(%run_scoped3A : memref<!tpu.dma_semaphore, #tpu.memory_space<semaphore_mem>>)
      tpu.wait_dma2 semaphore(%run_scoped3A : memref<!tpu.dma_semaphore, #tpu.memory_space<semaphore_mem>>) src(%arg4 : memref<8224xi32, #tpu.memory_space<hbm>>) dst(%arg9 : memref<8224xi32, #tpu.memory_space<vmem>>)
      tpu.yield
    }) : () -> ()
    "tpu.region"() ({
      %run_scoped3A = tpu.sem_alloc : memref<!tpu.dma_semaphore, #tpu.memory_space<semaphore_mem>>
      tpu.enqueue_dma source(%arg5 : memref<8224xi32, #tpu.memory_space<hbm>>) target(%arg10 : memref<8224xi32, #tpu.memory_space<vmem>>) target_semaphore(%run_scoped3A : memref<!tpu.dma_semaphore, #tpu.memory_space<semaphore_mem>>)
      tpu.wait_dma2 semaphore(%run_scoped3A : memref<!tpu.dma_semaphore, #tpu.memory_space<semaphore_mem>>) src(%arg5 : memref<8224xi32, #tpu.memory_space<hbm>>) dst(%arg10 : memref<8224xi32, #tpu.memory_space<vmem>>)
      tpu.yield
    }) : () -> ()
    %scan3A = arith.constant 0 : i32
    %scan3A_1 = arith.constant 0 : i32
    %scan3A_2 = arith.constant 3 : i32
    %scan3A_3 = arith.addi %scan3A_1, %scan3A_2 : i32
    %scan3A_4 = arith.constant 1 : i32
    scf.for %scan3A_6 = %scan3A_1 to %scan3A_3 step %scan3A_4  : i32 {
      %mul3A_7 = arith.constant 3 : i32
      %mul3A_8 = arith.muli %add3A, %mul3A_7 : i32
      %add3A_9 = arith.addi %mul3A_8, %scan3A_6 : i32
      %jit3A = arith.constant 16 : i32
      %div3A = arith.divsi %add3A_9, %jit3A : i32
      %sign3A = arith.constant 0 : i32
      %sign3A_10 = arith.cmpi sgt, %add3A_9, %sign3A : i32
      %sign3A_11 = arith.extui %sign3A_10 : i1 to i32
      %sign3A_12 = arith.constant 0 : i32
      %sign3A_13 = arith.cmpi slt, %add3A_9, %sign3A_12 : i32
      %sign3A_14 = arith.extui %sign3A_13 : i1 to i32
      %sign3A_15 = arith.subi %sign3A_11, %sign3A_14 : i32
      %sign3A_16 = arith.constant 0 : i32
      %sign3A_17 = arith.cmpi sgt, %jit3A, %sign3A_16 : i32
      %sign3A_18 = arith.extui %sign3A_17 : i1 to i32
      %sign3A_19 = arith.constant 0 : i32
      %sign3A_20 = arith.cmpi slt, %jit3A, %sign3A_19 : i32
      %sign3A_21 = arith.extui %sign3A_20 : i1 to i32
      %sign3A_22 = arith.subi %sign3A_18, %sign3A_21 : i32
      %ne3A = arith.cmpi ne, %sign3A_15, %sign3A_22 : i32
      %rem3A = arith.remsi %add3A_9, %jit3A : i32
      %ne3A_23 = arith.constant 0 : i32
      %ne3A_24 = arith.cmpi ne, %rem3A, %ne3A_23 : i32
      %and3A = arith.andi %ne3A, %ne3A_24 : i1
      %sub3A = arith.constant 1 : i32
      %sub3A_25 = arith.subi %div3A, %sub3A : i32
      %select_n3A = arith.select %and3A, %sub3A_25, %div3A : i32
      %jit3A_26 = arith.constant 16 : i32
      %eq3A = arith.constant 0 : i32
      %eq3A_27 = arith.cmpi eq, %jit3A_26, %eq3A : i32
      %jit3A_28 = arith.constant 1 : i32
      %select_n3A_29 = arith.select %eq3A_27, %jit3A_28, %jit3A_26 : i32
      %rem3A_30 = arith.remsi %add3A_9, %select_n3A_29 : i32
      %ne3A_31 = arith.constant 0 : i32
      %ne3A_32 = arith.cmpi ne, %rem3A_30, %ne3A_31 : i32
      %lt3A = arith.constant 0 : i32
      %lt3A_33 = arith.cmpi slt, %rem3A_30, %lt3A : i32
      %lt3A_34 = arith.constant 0 : i32
      %lt3A_35 = arith.cmpi slt, %select_n3A_29, %lt3A_34 : i32
      %ne3A_36 = arith.xori %lt3A_33, %lt3A_35 : i1
      %and3A_37 = arith.andi %ne3A_36, %ne3A_32 : i1
      %add3A_38 = arith.addi %rem3A_30, %select_n3A_29 : i32
      %select_n3A_39 = arith.select %and3A_37, %add3A_38, %rem3A_30 : i32
      %dma_start3A = arith.constant 0 : i32
      %dma_start3A_40 = tpu.memref_slice %arg7[%dma_start3A] : memref<100000xf32, #tpu.memory_space<vmem>> -> memref<25088xf32, #tpu.memory_space<vmem>>
      %dma_start3A_41 = arith.constant 0 : i32
      %dma_start3A_42 = tpu.memref_slice %arg2[%select_n3A, %select_n3A_39, %dma_start3A_41] : memref<6x16x100000xf32, #tpu.memory_space<hbm>> -> memref<1x1x25088xf32, #tpu.memory_space<hbm>>
      %dma_start3A_43 = tpu.memref_squeeze %dma_start3A_42 : memref<1x1x25088xf32, #tpu.memory_space<hbm>> -> memref<25088xf32, #tpu.memory_space<hbm>>
      %dma_start3A_44 = arith.constant 0 : i32
      %dma_start3A_45 = tpu.memref_slice %arg7[%dma_start3A_44] : memref<100000xf32, #tpu.memory_space<vmem>> -> memref<25088xf32, #tpu.memory_space<vmem>>
      %dma_start3A_46 = arith.constant 0 : i32
      %dma_start3A_47 = tpu.memref_slice %arg2[%select_n3A, %select_n3A_39, %dma_start3A_46] : memref<6x16x100000xf32, #tpu.memory_space<hbm>> -> memref<1x1x25088xf32, #tpu.memory_space<hbm>>
      %dma_start3A_48 = tpu.memref_squeeze %dma_start3A_47 : memref<1x1x25088xf32, #tpu.memory_space<hbm>> -> memref<25088xf32, #tpu.memory_space<hbm>>
      tpu.enqueue_dma source(%dma_start3A_48 : memref<25088xf32, #tpu.memory_space<hbm>>) target(%dma_start3A_45 : memref<25088xf32, #tpu.memory_space<vmem>>) target_semaphore(%arg11 : memref<!tpu.dma_semaphore, #tpu.memory_space<semaphore_mem>>)
      %dma_start3A_49 = arith.constant 25088 : i32
      %dma_start3A_50 = tpu.memref_slice %arg7[%dma_start3A_49] : memref<100000xf32, #tpu.memory_space<vmem>> -> memref<25088xf32, #tpu.memory_space<vmem>>
      %dma_start3A_51 = arith.constant 25088 : i32
      %dma_start3A_52 = tpu.memref_slice %arg2[%select_n3A, %select_n3A_39, %dma_start3A_51] : memref<6x16x100000xf32, #tpu.memory_space<hbm>> -> memref<1x1x25088xf32, #tpu.memory_space<hbm>>
      %dma_start3A_53 = tpu.memref_squeeze %dma_start3A_52 : memref<1x1x25088xf32, #tpu.memory_space<hbm>> -> memref<25088xf32, #tpu.memory_space<hbm>>
      %dma_start3A_54 = arith.constant 25088 : i32
      %dma_start3A_55 = tpu.memref_slice %arg7[%dma_start3A_54] : memref<100000xf32, #tpu.memory_space<vmem>> -> memref<25088xf32, #tpu.memory_space<vmem>>
      %dma_start3A_56 = arith.constant 25088 : i32
      %dma_start3A_57 = tpu.memref_slice %arg2[%select_n3A, %select_n3A_39, %dma_start3A_56] : memref<6x16x100000xf32, #tpu.memory_space<hbm>> -> memref<1x1x25088xf32, #tpu.memory_space<hbm>>
      %dma_start3A_58 = tpu.memref_squeeze %dma_start3A_57 : memref<1x1x25088xf32, #tpu.memory_space<hbm>> -> memref<25088xf32, #tpu.memory_space<hbm>>
      tpu.enqueue_dma source(%dma_start3A_58 : memref<25088xf32, #tpu.memory_space<hbm>>) target(%dma_start3A_55 : memref<25088xf32, #tpu.memory_space<vmem>>) target_semaphore(%arg11 : memref<!tpu.dma_semaphore, #tpu.memory_space<semaphore_mem>>)
      %dma_start3A_59 = arith.constant 50176 : i32
      %dma_start3A_60 = tpu.memref_slice %arg7[%dma_start3A_59] : memref<100000xf32, #tpu.memory_space<vmem>> -> memref<25088xf32, #tpu.memory_space<vmem>>
      %dma_start3A_61 = arith.constant 50176 : i32
      %dma_start3A_62 = tpu.memref_slice %arg2[%select_n3A, %select_n3A_39, %dma_start3A_61] : memref<6x16x100000xf32, #tpu.memory_space<hbm>> -> memref<1x1x25088xf32, #tpu.memory_space<hbm>>
      %dma_start3A_63 = tpu.memref_squeeze %dma_start3A_62 : memref<1x1x25088xf32, #tpu.memory_space<hbm>> -> memref<25088xf32, #tpu.memory_space<hbm>>
      %dma_start3A_64 = arith.constant 50176 : i32
      %dma_start3A_65 = tpu.memref_slice %arg7[%dma_start3A_64] : memref<100000xf32, #tpu.memory_space<vmem>> -> memref<25088xf32, #tpu.memory_space<vmem>>
      %dma_start3A_66 = arith.constant 50176 : i32
      %dma_start3A_67 = tpu.memref_slice %arg2[%select_n3A, %select_n3A_39, %dma_start3A_66] : memref<6x16x100000xf32, #tpu.memory_space<hbm>> -> memref<1x1x25088xf32, #tpu.memory_space<hbm>>
      %dma_start3A_68 = tpu.memref_squeeze %dma_start3A_67 : memref<1x1x25088xf32, #tpu.memory_space<hbm>> -> memref<25088xf32, #tpu.memory_space<hbm>>
      tpu.enqueue_dma source(%dma_start3A_68 : memref<25088xf32, #tpu.memory_space<hbm>>) target(%dma_start3A_65 : memref<25088xf32, #tpu.memory_space<vmem>>) target_semaphore(%arg11 : memref<!tpu.dma_semaphore, #tpu.memory_space<semaphore_mem>>)
      %dma_start3A_69 = arith.constant 75264 : i32
      %dma_start3A_70 = tpu.memref_slice %arg7[%dma_start3A_69] : memref<100000xf32, #tpu.memory_space<vmem>> -> memref<24704xf32, #tpu.memory_space<vmem>>
      %dma_start3A_71 = arith.constant 75264 : i32
      %dma_start3A_72 = tpu.memref_slice %arg2[%select_n3A, %select_n3A_39, %dma_start3A_71] : memref<6x16x100000xf32, #tpu.memory_space<hbm>> -> memref<1x1x24704xf32, #tpu.memory_space<hbm>>
      %dma_start3A_73 = tpu.memref_squeeze %dma_start3A_72 : memref<1x1x24704xf32, #tpu.memory_space<hbm>> -> memref<24704xf32, #tpu.memory_space<hbm>>
      %dma_start3A_74 = arith.constant 75264 : i32
      %dma_start3A_75 = tpu.memref_slice %arg7[%dma_start3A_74] : memref<100000xf32, #tpu.memory_space<vmem>> -> memref<24704xf32, #tpu.memory_space<vmem>>
      %dma_start3A_76 = arith.constant 75264 : i32
      %dma_start3A_77 = tpu.memref_slice %arg2[%select_n3A, %select_n3A_39, %dma_start3A_76] : memref<6x16x100000xf32, #tpu.memory_space<hbm>> -> memref<1x1x24704xf32, #tpu.memory_space<hbm>>
      %dma_start3A_78 = tpu.memref_squeeze %dma_start3A_77 : memref<1x1x24704xf32, #tpu.memory_space<hbm>> -> memref<24704xf32, #tpu.memory_space<hbm>>
      tpu.enqueue_dma source(%dma_start3A_78 : memref<24704xf32, #tpu.memory_space<hbm>>) target(%dma_start3A_75 : memref<24704xf32, #tpu.memory_space<vmem>>) target_semaphore(%arg11 : memref<!tpu.dma_semaphore, #tpu.memory_space<semaphore_mem>>)
      %mul3A_79 = arith.constant 128 : i32
      %mul3A_80 = arith.muli %add3A_9, %mul3A_79 : i32
      %multiple_of3A = tpu.assume_multiple %mul3A_80, 128 : i32
      %dma_start3A_81 = arith.constant 99872 : i32
      %dma_start3A_82 = tpu.memref_slice %arg7[%dma_start3A_81] : memref<100000xf32, #tpu.memory_space<vmem>> -> memref<128xf32, #tpu.memory_space<vmem>>
      %dma_start3A_83 = tpu.memref_slice %arg3[%multiple_of3A] : memref<12288xf32, #tpu.memory_space<hbm>> -> memref<128xf32, #tpu.memory_space<hbm>>
      %dma_start3A_84 = arith.constant 99872 : i32
      %dma_start3A_85 = tpu.memref_slice %arg7[%dma_start3A_84] : memref<100000xf32, #tpu.memory_space<vmem>> -> memref<128xf32, #tpu.memory_space<vmem>>
      %dma_start3A_86 = tpu.memref_slice %arg3[%multiple_of3A] : memref<12288xf32, #tpu.memory_space<hbm>> -> memref<128xf32, #tpu.memory_space<hbm>>
      tpu.enqueue_dma source(%dma_start3A_86 : memref<128xf32, #tpu.memory_space<hbm>>) target(%dma_start3A_85 : memref<128xf32, #tpu.memory_space<vmem>>) target_semaphore(%arg11 : memref<!tpu.dma_semaphore, #tpu.memory_space<semaphore_mem>>)
      %dma_wait3A = arith.constant 0 : i32
      %dma_wait3A_87 = tpu.memref_slice %arg7[%dma_wait3A] : memref<100000xf32, #tpu.memory_space<vmem>> -> memref<25088xf32, #tpu.memory_space<vmem>>
      %dma_wait3A_88 = arith.constant 0 : i32
      %dma_wait3A_89 = tpu.memref_slice %arg2[%select_n3A, %select_n3A_39, %dma_wait3A_88] : memref<6x16x100000xf32, #tpu.memory_space<hbm>> -> memref<1x1x25088xf32, #tpu.memory_space<hbm>>
      %dma_wait3A_90 = tpu.memref_squeeze %dma_wait3A_89 : memref<1x1x25088xf32, #tpu.memory_space<hbm>> -> memref<25088xf32, #tpu.memory_space<hbm>>
      %dma_wait3A_91 = arith.constant 0 : i32
      %dma_wait3A_92 = tpu.memref_slice %arg7[%dma_wait3A_91] : memref<100000xf32, #tpu.memory_space<vmem>> -> memref<25088xf32, #tpu.memory_space<vmem>>
      %dma_wait3A_93 = arith.constant 0 : i32
      %dma_wait3A_94 = tpu.memref_slice %arg2[%select_n3A, %select_n3A_39, %dma_wait3A_93] : memref<6x16x100000xf32, #tpu.memory_space<hbm>> -> memref<1x1x25088xf32, #tpu.memory_space<hbm>>
      %dma_wait3A_95 = tpu.memref_squeeze %dma_wait3A_94 : memref<1x1x25088xf32, #tpu.memory_space<hbm>> -> memref<25088xf32, #tpu.memory_space<hbm>>
      tpu.wait_dma2 semaphore(%arg11 : memref<!tpu.dma_semaphore, #tpu.memory_space<semaphore_mem>>) src(%dma_wait3A_95 : memref<25088xf32, #tpu.memory_space<hbm>>) dst(%dma_wait3A_92 : memref<25088xf32, #tpu.memory_space<vmem>>)
      %parallel_loop3A = arith.constant 0 : i32
      %parallel_loop3A_96 = arith.constant 129 : i32
      %parallel_loop3A_97 = arith.constant 1 : i32
      scf.for %parallel_loop3A_143 = %parallel_loop3A to %parallel_loop3A_96 step %parallel_loop3A_97  : i32 {
        %parallel_loop3A_144 = arith.constant 16 : i32
        %parallel_loop3A_145 = arith.muli %parallel_loop3A_143, %parallel_loop3A_144 : i32
        %parallel_loop3A_146 = arith.constant 0 : i32
        %parallel_loop3A_147 = arith.addi %parallel_loop3A_146, %parallel_loop3A_145 : i32
        %parallel_loop3A_148 = arith.index_cast %parallel_loop3A_147 : i32 to index
        %parallel_loop3A_149 = tpu.vector_load %arg9[%parallel_loop3A_148] {strides = array<i32>} : memref<8224xi32, #tpu.memory_space<vmem>>, vector<16xi32>,
        %parallel_loop3A_150 = tpu.vector_load_idx %arg7[%parallel_loop3A_149] : memref<100000xf32, #tpu.memory_space<vmem>>[vector<16xi32>], vector<16xf32>,
        %parallel_loop3A_151 = arith.index_cast %parallel_loop3A_147 : i32 to index
        %parallel_loop3A_152 = tpu.vector_load %arg10[%parallel_loop3A_151] {strides = array<i32>} : memref<8224xi32, #tpu.memory_space<vmem>>, vector<16xi32>,
        tpu.vector_store_idx %arg8[%parallel_loop3A_152], %parallel_loop3A_150 : memref<8208xf32, #tpu.memory_space<vmem>>[vector<16xi32>], vector<16xf32>,
      } {sc.loop_unroll_factor = 8 : i64, sc.parallel_access}
      %dma_wait3A_98 = arith.constant 25088 : i32
      %dma_wait3A_99 = tpu.memref_slice %arg7[%dma_wait3A_98] : memref<100000xf32, #tpu.memory_space<vmem>> -> memref<25088xf32, #tpu.memory_space<vmem>>
      %dma_wait3A_100 = arith.constant 25088 : i32
      %dma_wait3A_101 = tpu.memref_slice %arg2[%select_n3A, %select_n3A_39, %dma_wait3A_100] : memref<6x16x100000xf32, #tpu.memory_space<hbm>> -> memref<1x1x25088xf32, #tpu.memory_space<hbm>>
      %dma_wait3A_102 = tpu.memref_squeeze %dma_wait3A_101 : memref<1x1x25088xf32, #tpu.memory_space<hbm>> -> memref<25088xf32, #tpu.memory_space<hbm>>
      %dma_wait3A_103 = arith.constant 25088 : i32
      %dma_wait3A_104 = tpu.memref_slice %arg7[%dma_wait3A_103] : memref<100000xf32, #tpu.memory_space<vmem>> -> memref<25088xf32, #tpu.memory_space<vmem>>
      %dma_wait3A_105 = arith.constant 25088 : i32
      %dma_wait3A_106 = tpu.memref_slice %arg2[%select_n3A, %select_n3A_39, %dma_wait3A_105] : memref<6x16x100000xf32, #tpu.memory_space<hbm>> -> memref<1x1x25088xf32, #tpu.memory_space<hbm>>
      %dma_wait3A_107 = tpu.memref_squeeze %dma_wait3A_106 : memref<1x1x25088xf32, #tpu.memory_space<hbm>> -> memref<25088xf32, #tpu.memory_space<hbm>>
      tpu.wait_dma2 semaphore(%arg11 : memref<!tpu.dma_semaphore, #tpu.memory_space<semaphore_mem>>) src(%dma_wait3A_107 : memref<25088xf32, #tpu.memory_space<hbm>>) dst(%dma_wait3A_104 : memref<25088xf32, #tpu.memory_space<vmem>>)
      %parallel_loop3A_108 = arith.constant 0 : i32
      %parallel_loop3A_109 = arith.constant 133 : i32
      %parallel_loop3A_110 = arith.constant 1 : i32
      scf.for %parallel_loop3A_143 = %parallel_loop3A_108 to %parallel_loop3A_109 step %parallel_loop3A_110  : i32 {
        %parallel_loop3A_144 = arith.constant 16 : i32
        %parallel_loop3A_145 = arith.muli %parallel_loop3A_143, %parallel_loop3A_144 : i32
        %parallel_loop3A_146 = arith.constant 2064 : i32
        %parallel_loop3A_147 = arith.addi %parallel_loop3A_146, %parallel_loop3A_145 : i32
        %parallel_loop3A_148 = arith.index_cast %parallel_loop3A_147 : i32 to index
        %parallel_loop3A_149 = tpu.vector_load %arg9[%parallel_loop3A_148] {strides = array<i32>} : memref<8224xi32, #tpu.memory_space<vmem>>, vector<16xi32>,
        %parallel_loop3A_150 = tpu.vector_load_idx %arg7[%parallel_loop3A_149] : memref<100000xf32, #tpu.memory_space<vmem>>[vector<16xi32>], vector<16xf32>,
        %parallel_loop3A_151 = arith.index_cast %parallel_loop3A_147 : i32 to index
        %parallel_loop3A_152 = tpu.vector_load %arg10[%parallel_loop3A_151] {strides = array<i32>} : memref<8224xi32, #tpu.memory_space<vmem>>, vector<16xi32>,
        tpu.vector_store_idx %arg8[%parallel_loop3A_152], %parallel_loop3A_150 : memref<8208xf32, #tpu.memory_space<vmem>>[vector<16xi32>], vector<16xf32>,
      } {sc.loop_unroll_factor = 8 : i64, sc.parallel_access}
      %dma_wait3A_111 = arith.constant 50176 : i32
      %dma_wait3A_112 = tpu.memref_slice %arg7[%dma_wait3A_111] : memref<100000xf32, #tpu.memory_space<vmem>> -> memref<25088xf32, #tpu.memory_space<vmem>>
      %dma_wait3A_113 = arith.constant 50176 : i32
      %dma_wait3A_114 = tpu.memref_slice %arg2[%select_n3A, %select_n3A_39, %dma_wait3A_113] : memref<6x16x100000xf32, #tpu.memory_space<hbm>> -> memref<1x1x25088xf32, #tpu.memory_space<hbm>>
      %dma_wait3A_115 = tpu.memref_squeeze %dma_wait3A_114 : memref<1x1x25088xf32, #tpu.memory_space<hbm>> -> memref<25088xf32, #tpu.memory_space<hbm>>
      %dma_wait3A_116 = arith.constant 50176 : i32
      %dma_wait3A_117 = tpu.memref_slice %arg7[%dma_wait3A_116] : memref<100000xf32, #tpu.memory_space<vmem>> -> memref<25088xf32, #tpu.memory_space<vmem>>
      %dma_wait3A_118 = arith.constant 50176 : i32
      %dma_wait3A_119 = tpu.memref_slice %arg2[%select_n3A, %select_n3A_39, %dma_wait3A_118] : memref<6x16x100000xf32, #tpu.memory_space<hbm>> -> memref<1x1x25088xf32, #tpu.memory_space<hbm>>
      %dma_wait3A_120 = tpu.memref_squeeze %dma_wait3A_119 : memref<1x1x25088xf32, #tpu.memory_space<hbm>> -> memref<25088xf32, #tpu.memory_space<hbm>>
      tpu.wait_dma2 semaphore(%arg11 : memref<!tpu.dma_semaphore, #tpu.memory_space<semaphore_mem>>) src(%dma_wait3A_120 : memref<25088xf32, #tpu.memory_space<hbm>>) dst(%dma_wait3A_117 : memref<25088xf32, #tpu.memory_space<vmem>>)
      %parallel_loop3A_121 = arith.constant 0 : i32
      %parallel_loop3A_122 = arith.constant 130 : i32
      %parallel_loop3A_123 = arith.constant 1 : i32
      scf.for %parallel_loop3A_143 = %parallel_loop3A_121 to %parallel_loop3A_122 step %parallel_loop3A_123  : i32 {
        %parallel_loop3A_144 = arith.constant 16 : i32
        %parallel_loop3A_145 = arith.muli %parallel_loop3A_143, %parallel_loop3A_144 : i32
        %parallel_loop3A_146 = arith.constant 4192 : i32
        %parallel_loop3A_147 = arith.addi %parallel_loop3A_146, %parallel_loop3A_145 : i32
        %parallel_loop3A_148 = arith.index_cast %parallel_loop3A_147 : i32 to index
        %parallel_loop3A_149 = tpu.vector_load %arg9[%parallel_loop3A_148] {strides = array<i32>} : memref<8224xi32, #tpu.memory_space<vmem>>, vector<16xi32>,
        %parallel_loop3A_150 = tpu.vector_load_idx %arg7[%parallel_loop3A_149] : memref<100000xf32, #tpu.memory_space<vmem>>[vector<16xi32>], vector<16xf32>,
        %parallel_loop3A_151 = arith.index_cast %parallel_loop3A_147 : i32 to index
        %parallel_loop3A_152 = tpu.vector_load %arg10[%parallel_loop3A_151] {strides = array<i32>} : memref<8224xi32, #tpu.memory_space<vmem>>, vector<16xi32>,
        tpu.vector_store_idx %arg8[%parallel_loop3A_152], %parallel_loop3A_150 : memref<8208xf32, #tpu.memory_space<vmem>>[vector<16xi32>], vector<16xf32>,
      } {sc.loop_unroll_factor = 8 : i64, sc.parallel_access}
      %dma_wait3A_124 = arith.constant 75264 : i32
      %dma_wait3A_125 = tpu.memref_slice %arg7[%dma_wait3A_124] : memref<100000xf32, #tpu.memory_space<vmem>> -> memref<24704xf32, #tpu.memory_space<vmem>>
      %dma_wait3A_126 = arith.constant 75264 : i32
      %dma_wait3A_127 = tpu.memref_slice %arg2[%select_n3A, %select_n3A_39, %dma_wait3A_126] : memref<6x16x100000xf32, #tpu.memory_space<hbm>> -> memref<1x1x24704xf32, #tpu.memory_space<hbm>>
      %dma_wait3A_128 = tpu.memref_squeeze %dma_wait3A_127 : memref<1x1x24704xf32, #tpu.memory_space<hbm>> -> memref<24704xf32, #tpu.memory_space<hbm>>
      %dma_wait3A_129 = arith.constant 75264 : i32
      %dma_wait3A_130 = tpu.memref_slice %arg7[%dma_wait3A_129] : memref<100000xf32, #tpu.memory_space<vmem>> -> memref<24704xf32, #tpu.memory_space<vmem>>
      %dma_wait3A_131 = arith.constant 75264 : i32
      %dma_wait3A_132 = tpu.memref_slice %arg2[%select_n3A, %select_n3A_39, %dma_wait3A_131] : memref<6x16x100000xf32, #tpu.memory_space<hbm>> -> memref<1x1x24704xf32, #tpu.memory_space<hbm>>
      %dma_wait3A_133 = tpu.memref_squeeze %dma_wait3A_132 : memref<1x1x24704xf32, #tpu.memory_space<hbm>> -> memref<24704xf32, #tpu.memory_space<hbm>>
      tpu.wait_dma2 semaphore(%arg11 : memref<!tpu.dma_semaphore, #tpu.memory_space<semaphore_mem>>) src(%dma_wait3A_133 : memref<24704xf32, #tpu.memory_space<hbm>>) dst(%dma_wait3A_130 : memref<24704xf32, #tpu.memory_space<vmem>>)
      %dma_wait3A_134 = arith.constant 99872 : i32
      %dma_wait3A_135 = tpu.memref_slice %arg7[%dma_wait3A_134] : memref<100000xf32, #tpu.memory_space<vmem>> -> memref<128xf32, #tpu.memory_space<vmem>>
      %dma_wait3A_136 = tpu.memref_slice %arg3[%multiple_of3A] : memref<12288xf32, #tpu.memory_space<hbm>> -> memref<128xf32, #tpu.memory_space<hbm>>
      %dma_wait3A_137 = arith.constant 99872 : i32
      %dma_wait3A_138 = tpu.memref_slice %arg7[%dma_wait3A_137] : memref<100000xf32, #tpu.memory_space<vmem>> -> memref<128xf32, #tpu.memory_space<vmem>>
      %dma_wait3A_139 = tpu.memref_slice %arg3[%multiple_of3A] : memref<12288xf32, #tpu.memory_space<hbm>> -> memref<128xf32, #tpu.memory_space<hbm>>
      tpu.wait_dma2 semaphore(%arg11 : memref<!tpu.dma_semaphore, #tpu.memory_space<semaphore_mem>>) src(%dma_wait3A_139 : memref<128xf32, #tpu.memory_space<hbm>>) dst(%dma_wait3A_138 : memref<128xf32, #tpu.memory_space<vmem>>)
      %parallel_loop3A_140 = arith.constant 0 : i32
      %parallel_loop3A_141 = arith.constant 122 : i32
      %parallel_loop3A_142 = arith.constant 1 : i32
      scf.for %parallel_loop3A_143 = %parallel_loop3A_140 to %parallel_loop3A_141 step %parallel_loop3A_142  : i32 {
        %parallel_loop3A_144 = arith.constant 16 : i32
        %parallel_loop3A_145 = arith.muli %parallel_loop3A_143, %parallel_loop3A_144 : i32
        %parallel_loop3A_146 = arith.constant 6272 : i32
        %parallel_loop3A_147 = arith.addi %parallel_loop3A_146, %parallel_loop3A_145 : i32
        %parallel_loop3A_148 = arith.index_cast %parallel_loop3A_147 : i32 to index
        %parallel_loop3A_149 = tpu.vector_load %arg9[%parallel_loop3A_148] {strides = array<i32>} : memref<8224xi32, #tpu.memory_space<vmem>>, vector<16xi32>,
        %parallel_loop3A_150 = tpu.vector_load_idx %arg7[%parallel_loop3A_149] : memref<100000xf32, #tpu.memory_space<vmem>>[vector<16xi32>], vector<16xf32>,
        %parallel_loop3A_151 = arith.index_cast %parallel_loop3A_147 : i32 to index
        %parallel_loop3A_152 = tpu.vector_load %arg10[%parallel_loop3A_151] {strides = array<i32>} : memref<8224xi32, #tpu.memory_space<vmem>>, vector<16xi32>,
        tpu.vector_store_idx %arg8[%parallel_loop3A_152], %parallel_loop3A_150 : memref<8208xf32, #tpu.memory_space<vmem>>[vector<16xi32>], vector<16xf32>,
      } {sc.loop_unroll_factor = 8 : i64, sc.parallel_access}
      "tpu.region"() ({
        %run_scoped3A = tpu.sem_alloc : memref<!tpu.dma_semaphore, #tpu.memory_space<semaphore_mem>>
        %dma_start3A_143 = arith.constant 0 : i32
        %dma_start3A_144 = tpu.memref_slice %arg8[%dma_start3A_143] : memref<8208xf32, #tpu.memory_space<vmem>> -> memref<8192xf32, #tpu.memory_space<vmem>>
        %dma_start3A_145 = arith.constant 0 : i32
        %dma_start3A_146 = tpu.memref_slice %arg6[%select_n3A, %select_n3A_39, %dma_start3A_145] : memref<6x16x8192xf32, #tpu.memory_space<hbm>> -> memref<1x1x8192xf32, #tpu.memory_space<hbm>>
        %dma_start3A_147 = tpu.memref_squeeze %dma_start3A_146 : memref<1x1x8192xf32, #tpu.memory_space<hbm>> -> memref<8192xf32, #tpu.memory_space<hbm>>
        %dma_start3A_148 = arith.constant 0 : i32
        %dma_start3A_149 = tpu.memref_slice %arg6[%select_n3A, %select_n3A_39, %dma_start3A_148] : memref<6x16x8192xf32, #tpu.memory_space<hbm>> -> memref<1x1x8192xf32, #tpu.memory_space<hbm>>
        %dma_start3A_150 = tpu.memref_squeeze %dma_start3A_149 : memref<1x1x8192xf32, #tpu.memory_space<hbm>> -> memref<8192xf32, #tpu.memory_space<hbm>>
        %dma_start3A_151 = arith.constant 0 : i32
        %dma_start3A_152 = tpu.memref_slice %arg8[%dma_start3A_151] : memref<8208xf32, #tpu.memory_space<vmem>> -> memref<8192xf32, #tpu.memory_space<vmem>>
        tpu.enqueue_dma source(%dma_start3A_152 : memref<8192xf32, #tpu.memory_space<vmem>>) target(%dma_start3A_150 : memref<8192xf32, #tpu.memory_space<hbm>>) target_semaphore(%run_scoped3A : memref<!tpu.dma_semaphore, #tpu.memory_space<semaphore_mem>>)
        %dma_wait3A_153 = arith.constant 0 : i32
        %dma_wait3A_154 = tpu.memref_slice %arg8[%dma_wait3A_153] : memref<8208xf32, #tpu.memory_space<vmem>> -> memref<8192xf32, #tpu.memory_space<vmem>>
        %dma_wait3A_155 = arith.constant 0 : i32
        %dma_wait3A_156 = tpu.memref_slice %arg6[%select_n3A, %select_n3A_39, %dma_wait3A_155] : memref<6x16x8192xf32, #tpu.memory_space<hbm>> -> memref<1x1x8192xf32, #tpu.memory_space<hbm>>
        %dma_wait3A_157 = tpu.memref_squeeze %dma_wait3A_156 : memref<1x1x8192xf32, #tpu.memory_space<hbm>> -> memref<8192xf32, #tpu.memory_space<hbm>>
        %dma_wait3A_158 = arith.constant 0 : i32
        %dma_wait3A_159 = tpu.memref_slice %arg6[%select_n3A, %select_n3A_39, %dma_wait3A_158] : memref<6x16x8192xf32, #tpu.memory_space<hbm>> -> memref<1x1x8192xf32, #tpu.memory_space<hbm>>
        %dma_wait3A_160 = tpu.memref_squeeze %dma_wait3A_159 : memref<1x1x8192xf32, #tpu.memory_space<hbm>> -> memref<8192xf32, #tpu.memory_space<hbm>>
        %dma_wait3A_161 = arith.constant 0 : i32
        %dma_wait3A_162 = tpu.memref_slice %arg8[%dma_wait3A_161] : memref<8208xf32, #tpu.memory_space<vmem>> -> memref<8192xf32, #tpu.memory_space<vmem>>
        tpu.wait_dma2 semaphore(%run_scoped3A : memref<!tpu.dma_semaphore, #tpu.memory_space<semaphore_mem>>) src(%dma_wait3A_162 : memref<8192xf32, #tpu.memory_space<vmem>>) dst(%dma_wait3A_160 : memref<8192xf32, #tpu.memory_space<hbm>>)
        tpu.yield
      }) : () -> ()
    }
    %scan3A_5 = arith.constant 3 : i32
    return
  }
}

</mosaic_0001>

<sc_bundles>
// kernel: kernel.3.cloned.1.call-start
scs
__scs_entry_jumppad:
0x0: {  	(pc) =	sbr.rel $0x88, $3  }
0x1: {  	(tag) =	ssettag $0x0;
	lr =	simm.s32 $0x1  }
0x2: {  	[smem:$0x3FA0] =	sst lr;
	_ =	strace $0xD0000000  }
0x3: {  	_ = 	snop  }
0x4: {  	_ = 	snop  }
0x5: {  	_ = 	snop  }
0x6: {  	_ = 	snop  }
0x7: {  	_ = 	snop  }
__scs_overlays_trampoline_lowered:
0x8: {  	[smem:$0x3FAF] =	sst s0  }
0x9: {  	[smem:$0x3FB0] =	sst s1  }
0xa: {  	[smem:$0x3FB1] =	sst s2  }
0xb: {  	[smem:$0x3FB2] =	sst s3  }
0xc: {  	[smem:$0x3FB3] =	sst s4  }
0xd: {  	[smem:$0x3FB4] =	sst s5  }
0xe: {  	[smem:$0x3FB5] =	sst s6  }
0xf: {  	[smem:$0x3FB6] =	sst s7  }
0x10: {  	[smem:$0x3FB7] =	sst s8  }
0x11: {  	[smem:$0x3FB8] =	sst s9;
	s0 =	simm.s32 @!p0 $0x0  }
0x12: {  	s1 =	sld [smem:$0x3F9E];
	s0 =	simm.s32 @p0 $0x1  }
0x13: {  	[smem:$0x3FB9] =	sst s0;
	s0 =	simm.s32 @!p1 $0x0  }
0x14: {  	s2 =	sld [smem:$0x3F9D];
	s0 =	simm.s32 @p1 $0x1  }
0x15: {  	[smem:$0x3FBA] =	sst s0;
	s0 =	simm.s32 @!p2 $0x0  }
0x16: {  	s3 =	sld [smem:$0x3FDB];
	s0 =	simm.s32 @p2 $0x1  }
0x17: {  	s4 =	simm.s32 $0x1BF5;
	[smem:$0x3FBC] =	sst s0  }
0x18: {  	s0 =	sld [smem:$0x3F9F];
	_ =	swait.ge [sflag:s4], $0x0  }
0x19: {  	s7 =	sld [smem:$0x3FA0]  }
0x1a: {  	s8 =	sadd.s32 $0xFFFFE003, lr  }
0x1b: {  	s9 =	sadd.s32 $0xFFFFFEF7, lr;
	s5 =	simm.s32 $0xFFFFFFFF;
	p2 =	slt.u32 s8, $0xFFFFF086  }
0x1c: {  	p1 =	slt.u32 s9, $0xF7A;
	s5 =	simm.s32 @!p2 $0x0  }
0x1d: {  	s5 =	simm.s32 @p1 $0x1;
	p0 =	seq.s32 s7, s2  }
0x1e: {  	s7 =	smul.u32 @!p0 $0xF7A, s2;
	p2 =	seq.s32 @!p0 s5, $0x0  }
0x1f: {  	s9 =	smul.u32 $0xF7A, s1;
	s8 =	simm.s32 @!p0 $0x1BF5;
	p2 =	por !p2, p0  }
0x20: {  	[sflag:s8] =	ssyncset.s32 @!p0 $0xFFFFF086;
	s6 =	sadd.s32 @!p0 s3, s7;
	s7 =	simm.s32 @!p0 $0x108  }
0x21: {  	s3 =	sadd.s32 s3, s9;
	s6 =	sadd.s32 @!p0 $0x88, s6;
	s7 =	simm.s32 @p2 $0x1082  }
0x22: {  	[simem:s7], [sflag:s8] =	dma.local @!p0 [hbm:s6], $0xF7A  }
0x23: {  	s9 =	sor.u32 $0xD0000000, s2;
	s6 =	simm.s32 $0x108;
	_ =	swait.ge @!p0 [sflag:s8], $0x0  }
0x24: {  	s3 =	sadd.s32 $0x88, s3;
	s6 =	simm.s32 @!p1 $0x1082;
	[sflag:s4] =	ssyncset.s32 $0xFFFFF086  }
0x25: {  	[simem:s6], [sflag:s4] =	dma.local [hbm:s3], $0xF7A  }
0x26: {  	[smem:$0x3FA0] =	sst s1;
	(tag) =	ssettag s2;
	_ =	strace s9  }
0x27: {  	s1 =	sld [smem:$0x3FB0]  }
0x28: {  	s2 =	sld [smem:$0x3FB1]  }
0x29: {  	s4 =	sld [smem:$0x3FB3]  }
0x2a: {  	p0 =	seq.s32 s5, $0x0;
	s5 =	sld [smem:$0x3FB4]  }
0x2b: {  	s6 =	sld [smem:$0x3FB5]  }
0x2c: {  	s7 =	sld [smem:$0x3FB6]  }
0x2d: {  	s3 =	simm.s32 $0x108;
	s8 =	sld [smem:$0x3FB7]  }
0x2e: {  	s3 =	simm.s32 @!p0 $0x1082;
	s9 =	sld [smem:$0x3FB8]  }
0x2f: {  	lr =	sadd.s32 s0, s3;
	s0 =	sld [smem:$0x3FAF]  }
0x30: {  	s3 =	sld [smem:$0x3FB2]  }
0x31: {  	[smem:$0x3FBB] =	sst s10  }
0x32: {  	s10 =	sld [smem:$0x3FB9];
	_ =	sdelay $0x3  }
0x33: {  	p0 =	seq.s32 s10, $0x1;
	s10 =	sld [smem:$0x3FBB];
	_ =	sdelay $0x3  }
0x34: {  	[smem:$0x3FBB] =	sst s10  }
0x35: {  	s10 =	sld [smem:$0x3FBA];
	_ =	sdelay $0x3  }
0x36: {  	p1 =	seq.s32 s10, $0x1;
	s10 =	sld [smem:$0x3FBB];
	_ =	sdelay $0x3  }
0x37: {  	[smem:$0x3FBB] =	sst s10  }
0x38: {  	s10 =	sld [smem:$0x3FBC]  }
0x39: {  	_ = 	snop;
	(pc) =	sbr.ind lr, $3  }
0x3a: {  	_ = 	snop  }
0x3b: {  	_ = 	snop  }
0x3c: {  	p2 =	seq.s32 s10, $0x1;
	s10 =	sld [smem:$0x3FBB]  }
0x3d: {  	_ =	shalt  }
0x3e: {  	_ =	shalt  }
0x3f: {  	_ =	shalt  }
0x40: {  	_ =	shalt  }
0x41: {  	_ =	shalt  }
0x42: {  	_ =	shalt  }
0x43: {  	_ =	shalt  }
0x44: {  	_ =	shalt  }
0x45: {  	_ =	shalt  }
0x46: {  	_ =	shalt  }
0x47: {  	_ =	shalt  }
0x48: {  	_ =	shalt  }
0x49: {  	_ =	shalt  }
0x4a: {  	_ =	shalt  }
0x4b: {  	_ =	shalt  }
0x4c: {  	_ =	shalt  }
0x4d: {  	_ =	shalt  }
0x4e: {  	_ =	shalt  }
0x4f: {  	_ =	shalt  }
0x50: {  	_ =	shalt  }
0x51: {  	_ =	shalt  }
0x52: {  	_ =	shalt  }
0x53: {  	_ =	shalt  }
0x54: {  	_ =	shalt  }
0x55: {  	_ =	shalt  }
0x56: {  	_ =	shalt  }
0x57: {  	_ =	shalt  }
0x58: {  	_ =	shalt  }
0x59: {  	_ =	shalt  }
0x5a: {  	_ =	shalt  }
0x5b: {  	_ =	shalt  }
0x5c: {  	_ =	shalt  }
0x5d: {  	_ =	shalt  }
0x5e: {  	_ =	shalt  }
0x5f: {  	_ =	shalt  }
0x60: {  	_ =	shalt  }
0x61: {  	_ =	shalt  }
0x62: {  	_ =	shalt  }
0x63: {  	_ =	shalt  }
0x64: {  	_ =	shalt  }
0x65: {  	_ =	shalt  }
0x66: {  	_ =	shalt  }
0x67: {  	_ =	shalt  }
0x68: {  	_ =	shalt  }
0x69: {  	_ =	shalt  }
0x6a: {  	_ =	shalt  }
0x6b: {  	_ =	shalt  }
0x6c: {  	_ =	shalt  }
0x6d: {  	_ =	shalt  }
0x6e: {  	_ =	shalt  }
0x6f: {  	_ =	shalt  }
0x70: {  	_ =	shalt  }
0x71: {  	_ =	shalt  }
0x72: {  	_ =	shalt  }
0x73: {  	_ =	shalt  }
0x74: {  	_ =	shalt  }
0x75: {  	_ =	shalt  }
0x76: {  	_ =	shalt  }
0x77: {  	_ =	shalt  }
0x78: {  	_ =	shalt  }
0x79: {  	_ =	shalt  }
0x7a: {  	_ =	shalt  }
0x7b: {  	_ =	shalt  }
0x7c: {  	_ =	shalt  }
0x7d: {  	_ =	shalt  }
0x7e: {  	_ =	shalt  }
0x7f: {  	_ =	shalt  }
0x80: {  	_ =	shalt  }
0x81: {  	_ =	shalt  }
0x82: {  	_ =	shalt  }
0x83: {  	_ =	shalt  }
0x84: {  	_ =	shalt  }
0x85: {  	_ =	shalt  }
0x86: {  	_ =	shalt  }
0x87: {  	_ =	shalt  }
.Lfunc_end0:
.L_simem_size_0:
called_computation_lowered:
.L_overlay_start_0:
0x88: {  	s2 =	sld [smem:$0x3FD9]  }
0x89: {  	s3 =	sld [smem:$0x3FFE];
	_ =	sdelay $0x1  }
0x8a: {  	s1 =	srdreg.scid  }
0x8b: {  	s0 =	sand.u32 $0x1, s1  }
0x8c: {  	s17 =	sshll.u32 s0, $0xA;
	s2 =	sadd.s32 s3, s2  }
0x8d: {  	s2 =	sadd.s32 s2, s17  }
0x8e: {  	[smem:$0x3FC7] =	sst s2  }
0x8f: {  	_ = 	snop  }
0x90: {  	s2 =	sld [smem:$0x3FC9]  }
0x91: {  	s18 =	sld [smem:$0x3FD0];
	(tm) =	ssettm $0x1  }
0x92: {  	s4 =	sld [smem:$0x3FFB];
	_ =	sdelay $0x3  }
0x93: {  	_ =	strace s4  }
0x94: {  	s4 =	sld [smem:$0x3FFC];
	_ =	sdelay $0x3  }
0x95: {  	_ =	strace s4  }
0x96: {  	s4 =	sld [smem:$0x3FFD];
	_ =	sdelay $0x3  }
0x97: {  	_ =	strace s4  }
0x98: {  	_ =	strace $0x8FFFFFFF  }
0x99: {  	s19 =	sld [smem:$0x3FDB];
	_ =	sdelay $0x1  }
0x9a: {  	s5 =	simm.s32 $_scs_section_size  }
0x9b: {  	s6 =	simm.s32 $_size__tile_overlayer_lowered;
	s7 =	simm.s32 $_tile_overlayer_lowered  }
0x9c: {  	s22 =	simm.s32 $0x1BFF;
	s21 =	sshll.u32 s7, $0x1;
	s4 =	sadd.s32 s5, s19  }
0x9d: {  	s8 =	simm.s32 $0x0;
	s20 =	sshll.u32 s6, $0x1;
	s6 =	sadd.s32 s21, s4  }
0x9e: {  	[timem:s8], [sflag:s22] =	dma.local [hbm:s6], s20  }
0x9f: {  	_ =	swait.ge [sflag:s22], s20  }
0xa0: {  	s5 =	ssub.s32 $0x0, s20;
	[sflag:s22] =	ssyncset.done $0x0  }
0xa1: {  	[sflag:s22] =	ssyncadd.s32 s5;
	_ =	sdelay $0x1  }
0xa2: {  	s23 =	simm.s32 $0x1B8B  }
0xa3: {  	_ =	swait.ge [sflag:s23], $0x1  }
0xa4: {  	[sflag:s23] =	ssyncset.done $0x0  }
0xa5: {  	s25 =	simm.s32 $0x1B8E;
	s24 =	sld [smem:$0x3FFE];
	[sflag:s23] =	ssyncadd.s32 $0xFFFFFFFF  }
0xa6: {  	s26 =	simm.s32 $execute0_lowered;
	[smem:$0x3FD2] =	sst s25  }
0xa7: {  	s6 =	sshll.u32 s26, $0x1;
	_ =	strace $0x80000046;
	[dreg:$0x1] =	wrdreg $0xFFFFFFFF  }
0xa8: {  	s28 =	simm.s32 $_size_execute0_lowered;
	s4 =	sadd.s32 s4, s6;
	[dreg:$0x0] =	wrdreg $0x0  }
0xa9: {  	s6 =	sshll.u32 s28, $0x1;
	[dreg:$0x2] =	wrdreg s4  }
0xaa: {  	[dreg:$0x3] =	wrdreg s6  }
0xab: {  	[dreg:$0x4] =	wrdreg $0xC0  }
0xac: {  	_ =	task [dreg:s8], $0x5FFFF  }
0xad: {  	[dreg:$0x1] =	wrdreg $0xFFFFFFFF  }
0xae: {  	[dreg:$0x0] =	wrdreg $0x60  }
0xaf: {  	[dreg:$0x2] =	wrdreg s2  }
0xb0: {  	[dreg:$0x3] =	wrdreg s24  }
0xb1: {  	[dreg:$0x4] =	wrdreg s18  }
0xb2: {  	[dreg:$0x5] =	wrdreg $0x9  }
0xb3: {  	_ =	task.clear_ibuf [dreg:s8], $0x6FFFF;
	_ =	strace $0x90000046  }
0xb4: {  	s29 =	simm.s32 $0x9;
	_ =	strace $0x80000048  }
0xb5: {  	_ =	swait.ge [sflag:s29], $0x1  }
0xb6: {  	[sflag:s29] =	ssyncadd.s32 $0xFFFFFFFF  }
0xb7: {  	_ =	strace $0x90000048  }
0xb8: {  	_ =	sfence  }
0xb9: {  	s30 =	sld [smem:$0x0];
	_ =	sdelay $0x2  }
0xba: {  	s31 =	sshll.u32 s1, $0xD;
	s1 =	sshrl.u32 s1, $0x2  }
0xbb: {  	s3 =	sand.u32 $0x4000, s31;
	s1 =	sadd.s32 s1, s30  }
0xbc: {  	s0 =	sor.u32 s3, s0;
	s1 =	sshll.u32 s1, $0x11  }
0xbd: {  	s0 =	sor.u32 s1, s0  }
0xbe: {  	s0 =	sadd.s32 $0x8F2B, s0  }
0xbf: {  	[sflag:s0] =	ssyncadd.remote.s32 $0x1  }
0xc0: {  	_ =	sfence.sel $0xFFFF  }
0xc1: {  	[dreg:$0x0] =	wrdreg $0xFFFFFFFF;
	(pc) =	sbr.abs _section_cstart, $3  }
0xc2: {  	[dreg:$0x1] =	wrdreg $0xFFFFFFFF  }
0xc3: {  	_ =	task.clear_ibuf [dreg:s8], $0x2FFFF;
	_ =	strace $0x9FFFFFFF  }
0xc4: {  	(tm) =	ssettm $0x7FFFFFFF  }
0xc5: {  	_ =	shalt  }
tec
execute0_lowered:
.L_overlay_start_1:
0x0: {  	(tag) =	ssettag $0x1  }
0x1: {  	s1 =	rddreg [dreg:$0x0]  }
0x2: {  	s7 =	rddreg [dreg:$0x1]  }
0x3: {  	s2 =	rddreg [dreg:$0x2]  }
0x4: {  	s0 =	rddreg [dreg:$0x3];
	s3 =	simm.s32 $0x0  }
0x5: {  	s4 =	srdreg.scid;
	s12 =	simm.s32 $0x1C800;
	s13 =	simm.s32 $0x80  }
0x6: {  	s14 =	simm.s32 $0x400;
	s15 =	simm.s32 $0x6200;
	s16 =	simm.s32 $0xC400  }
0x7: {  	s17 =	simm.s32 $0x12600;
	s18 =	simm.s32 $0x18620;
	s19 =	simm.s32 $0x1  }
0x8: {  	s20 =	simm.s32 $0x18700;
	s21 =	simm.s32 $0x0;
	[smem:$0x7FF] =	sst s3  }
0x9: {  	s8 =	sand.u32 $0x1, s4;
	s4 =	stileid.u32;
	s5 =	sadd.s32 $0x400, s7  }
0xa: {  	s6 =	sadd.s32 $0x1000, s7;
	s7 =	sadd.s32 $0xA00, s7;
	s9 =	ssub.s32 $0x2, s8  }
0xb: {  	_ =	strace $0x80000047;
	s11 =	sshll.u32 s4, $0x1;
	s10 =	sshrl.u32 s9, $0x1  }
0xc: {  	s8 =	sor.u32 s8, s11;
	s11 =	simm.s32 $0x2;
	s9 =	ssub.s32 s9, s10  }
0xd: {  	s8 =	smul.u32 $0x3, s8;
	s10 =	simm.s32 $0x1A780;
	s9 =	smax.u32 s9, $0x1  }
.LBB2_1:
0xe: {  	[tilespmem:s10], [sflag:$0x2] =	stream.linear.gather [hbm4b:s6+s3], $0x2080, $0x38;
	[tilespmem:$0x1E880] =	vst v63  }
0xf: {  	_ =	swait.ge [sflag:s11], $0x2080  }
0x10: {  	[sflag:s11] =	ssyncset.done $0x0  }
0x11: {  	[sflag:s11] =	ssyncadd.s32 $0xFFFFDF80  }
0x12: {  	[tilespmem:s12], [sflag:$0x2] =	stream.linear.gather [hbm4b:s7+s3], $0x2080, $0x38;
	[tilespmem:$0x1E880] =	vst v63  }
0x13: {  	_ =	swait.ge [sflag:s11], $0x2080  }
0x14: {  	[sflag:s11] =	ssyncset.done $0x0  }
0x15: {  	s22 =	simm.s32 $0x0;
	[sflag:s11] =	ssyncadd.s32 $0xFFFFDF80  }
.LBB2_2:
0x16: {  	s26 =	sadd.s32 s8, s22  }
0x17: {  	s23 =	sshrl.u32 s26, $0x4;
	s24 =	sshrl.u32 s26, $0x3  }
0x18: {  	s24 =	sand.u32 $0x1, s24;
	s25 =	smul.u32 $0x187000, s23  }
0x19: {  	s28 =	smul.u32 $0xC3800, s24  }
0x1a: {  	s29 =	sshll.u32 s26, $0x7  }
0x1b: {  	s28 =	sadd.s32 s25, s28;
	s25 =	sand.u32 $0x380, s29  }
0x1c: {  	s28 =	sor.u32 s25, s28  }
0x1d: {  	s29 =	sshrl.u32 s28, $0x3  }
0x1e: {  	s29 =	sadd.s32 s1, s29  }
0x1f: {  	[tilespmem:s3], [sflag:$0x1] =	stream.strided.gather [hbm4b:s29+s13], $0x6200, s14, s13, $0x38;
	[tilespmem:$0x1E880] =	vst v63  }
0x20: {  	s29 =	sadd.s32 $0x31000, s28  }
0x21: {  	s29 =	sshrl.u32 s29, $0x3  }
0x22: {  	s29 =	sadd.s32 s1, s29  }
0x23: {  	[tilespmem:s15], [sflag:$0x1] =	stream.strided.gather [hbm4b:s29+s13], $0x6200, s14, s13, $0x38;
	[tilespmem:$0x1E880] =	vst v63  }
0x24: {  	s29 =	sadd.s32 $0x62000, s28  }
0x25: {  	s28 =	sadd.s32 $0x93000, s28;
	s29 =	sshrl.u32 s29, $0x3  }
0x26: {  	s28 =	sshrl.u32 s28, $0x3;
	s29 =	sadd.s32 s1, s29  }
0x27: {  	[tilespmem:s16], [sflag:$0x1] =	stream.strided.gather [hbm4b:s29+s13], $0x6200, s14, s13, $0x38;
	[tilespmem:$0x1E880] =	vst v63  }
0x28: {  	s26 =	sshll.u32 s26, $0x4;
	s28 =	sadd.s32 s1, s28  }
0x29: {  	[tilespmem:s17], [sflag:$0x1] =	stream.strided.gather [hbm4b:s28+s13], $0x6080, s14, s13, $0x38;
	[tilespmem:$0x1E880] =	vst v63  }
0x2a: {  	s26 =	sadd.s32 s5, s26  }
0x2b: {  	[tilespmem:s18], [sflag:$0x1] =	stream.linear.gather [hbm4b:s26+s3], $0x80, $0x38;
	[tilespmem:$0x1E880] =	vst v63  }
0x2c: {  	_ =	swait.ge [sflag:s19], $0x6200  }
0x2d: {  	[sflag:s19] =	ssyncset.done $0x0  }
0x2e: {  	s28 =	simm.s32 $0x1A7C0;
	[sflag:s19] =	ssyncadd.s32 $0xFFFF9E00  }
0x2f: {  	v0 =	vld [tilespmem:s28+$0x30]  }
0x30: {  	v1 =	vld [tilespmem:s28+$0xFFFFFFD0]  }
0x31: {  	v2 =	vld [tilespmem:s28+$0xFFFFFFE0]  }
0x32: {  	v3 =	vld [tilespmem:s28+$0xFFFFFFF0]  }
0x33: {  	v6 =	vld [tilespmem:s28+$0x0]  }
0x34: {  	s26 =	simm.s32 $0x1C840;
	v7 =	vld [tilespmem:s28+$0x10]  }
0x35: {  	v14 =	vld [tilespmem:s26+$0x30]  }
0x36: {  	v8 =	vld [tilespmem:s28+$0x20]  }
0x37: {  	v9 =	vld [tilespmem:s28+$0xFFFFFFC0]  }
0x38: {  	v12 =	vld [tilespmem:s26+$0xFFFFFFC0]  }
0x39: {  	v11 =	vld [tilespmem:s26+$0xFFFFFFD0]  }
0x3a: {  	v10 =	vld [tilespmem:s26+$0xFFFFFFE0]  }
0x3b: {  	v15 =	vld.idx.msk [tilespmem:v0+s3+$0x0], $0xffff  }
0x3c: {  	v5 =	vld.idx.msk [tilespmem:v1+s3+$0x0], $0xffff  }
0x3d: {  	v4 =	vld.idx.msk [tilespmem:v2+s3+$0x0], $0xffff  }
0x3e: {  	v3 =	vld.idx.msk [tilespmem:v3+s3+$0x0], $0xffff  }
0x3f: {  	v2 =	vld.idx.msk [tilespmem:v6+s3+$0x0], $0xffff  }
0x40: {  	v0 =	vld.idx.msk [tilespmem:v7+s3+$0x0], $0xffff  }
0x41: {  	v1 =	vld.idx.msk [tilespmem:v8+s3+$0x0], $0xffff  }
0x42: {  	v13 =	vld.idx.msk [tilespmem:v9+s3+$0x0], $0xffff  }
0x43: {  	v9 =	vld [tilespmem:s26+$0xFFFFFFF0]  }
0x44: {  	v8 =	vld [tilespmem:s26+$0x0]  }
0x45: {  	v6 =	vld [tilespmem:s26+$0x10]  }
0x46: {  	s29 =	simm.s32 $0x1A840;
	s28 =	simm.s32 $0x0;
	v7 =	vld [tilespmem:s26+$0x20];
	[tilespmem:v14+s20+$0x0] =	vst.idx.msk $0xffff, v15  }
.LBB2_3:
0x47: {  	v14 =	vld [tilespmem:s29+$0x30];
	s28 =	sadd.s32 $0x8, s28;
	[tilespmem:v12+s20+$0x0] =	vst.idx.msk $0xffff, v13  }
0x48: {  	v12 =	vld [tilespmem:s29+$0xFFFFFFD0];
	p0 =	slt.u32 s28, $0x78  }
0x49: {  	v13 =	vld [tilespmem:s29+$0xFFFFFFE0];
	[tilespmem:v11+s20+$0x0] =	vst.idx.msk $0xffff, v5  }
0x4a: {  	v11 =	vld [tilespmem:s29+$0xFFFFFFF0];
	[tilespmem:v10+s20+$0x0] =	vst.idx.msk $0xffff, v4  }
0x4b: {  	v10 =	vld [tilespmem:s29+$0x0];
	[tilespmem:v9+s20+$0x0] =	vst.idx.msk $0xffff, v3  }
0x4c: {  	s26 =	sadd.s32 $0x80, s26;
	v9 =	vld [tilespmem:s29+$0x10];
	[tilespmem:v8+s20+$0x0] =	vst.idx.msk $0xffff, v2  }
0x4d: {  	v8 =	vld [tilespmem:s26+$0x30];
	[tilespmem:v6+s20+$0x0] =	vst.idx.msk $0xffff, v0  }
0x4e: {  	v6 =	vld [tilespmem:s29+$0x20];
	[tilespmem:v7+s20+$0x0] =	vst.idx.msk $0xffff, v1  }
0x4f: {  	v1 =	vld.idx.msk [tilespmem:v14+s3+$0x0], $0xffff  }
0x50: {  	v7 =	vld [tilespmem:s29+$0xFFFFFFC0]  }
0x51: {  	v5 =	vld.idx.msk [tilespmem:v12+s3+$0x0], $0xffff  }
0x52: {  	v4 =	vld.idx.msk [tilespmem:v13+s3+$0x0], $0xffff  }
0x53: {  	v3 =	vld.idx.msk [tilespmem:v11+s3+$0x0], $0xffff  }
0x54: {  	v2 =	vld.idx.msk [tilespmem:v10+s3+$0x0], $0xffff  }
0x55: {  	v0 =	vld.idx.msk [tilespmem:v9+s3+$0x0], $0xffff;
	[tilespmem:v8+s20+$0x0] =	vst.idx.msk $0xffff, v1  }
0x56: {  	v1 =	vld.idx.msk [tilespmem:v6+s3+$0x0], $0xffff  }
0x57: {  	v12 =	vld [tilespmem:s26+$0xFFFFFFC0]  }
0x58: {  	v13 =	vld.idx.msk [tilespmem:v7+s3+$0x0], $0xffff  }
0x59: {  	v11 =	vld [tilespmem:s26+$0xFFFFFFD0]  }
.Ltmp0:
0x5a: {  	v10 =	vld [tilespmem:s26+$0xFFFFFFE0];
	(pc) =	sbr.rel @p0 .LBB2_3-.Ltmp0, $4  }
0x5b: {  	v9 =	vld [tilespmem:s26+$0xFFFFFFF0]  }
0x5c: {  	v8 =	vld [tilespmem:s26+$0x0]  }
0x5d: {  	v6 =	vld [tilespmem:s26+$0x10]  }
0x5e: {  	s29 =	sadd.s32 $0x80, s29;
	v7 =	vld [tilespmem:s26+$0x20]  }
0x5f: {  	_ =	sdelay $0x3  }
0x60: {  	[tilespmem:v12+s20+$0x0] =	vst.idx.msk $0xffff, v13  }
0x61: {  	[tilespmem:v11+s20+$0x0] =	vst.idx.msk $0xffff, v5  }
0x62: {  	[tilespmem:v10+s20+$0x0] =	vst.idx.msk $0xffff, v4  }
0x63: {  	[tilespmem:v9+s20+$0x0] =	vst.idx.msk $0xffff, v3  }
0x64: {  	[tilespmem:v8+s20+$0x0] =	vst.idx.msk $0xffff, v2  }
0x65: {  	[tilespmem:v6+s20+$0x0] =	vst.idx.msk $0xffff, v0  }
0x66: {  	[tilespmem:v7+s20+$0x0] =	vst.idx.msk $0xffff, v1  }
0x67: {  	v0 =	vld [tilespmem:$0x1AF80];
	_ =	sdelay $0x4  }
0x68: {  	v1 =	vld [tilespmem:$0x1D000];
	_ =	sdelay $0x2  }
0x69: {  	v0 =	vld.idx.msk [tilespmem:v0+s3+$0x0], $0xffff;
	_ =	sdelay $0x4  }
0x6a: {  	[tilespmem:v1+s20+$0x0] =	vst.idx.msk $0xffff, v0  }
0x6b: {  	_ =	swait.ge [sflag:s19], $0x6200  }
0x6c: {  	[sflag:s19] =	ssyncset.done $0x0  }
0x6d: {  	s29 =	simm.s32 $0x1B000;
	[sflag:s19] =	ssyncadd.s32 $0xFFFF9E00  }
0x6e: {  	v0 =	vld [tilespmem:s29+$0x0]  }
0x6f: {  	v1 =	vld [tilespmem:s29+$0xFFFFFFA0]  }
0x70: {  	v2 =	vld [tilespmem:s29+$0xFFFFFFB0]  }
0x71: {  	v3 =	vld [tilespmem:s29+$0xFFFFFFC0]  }
0x72: {  	v6 =	vld [tilespmem:s29+$0xFFFFFFD0]  }
0x73: {  	s28 =	simm.s32 $0x1D080;
	v7 =	vld [tilespmem:s29+$0xFFFFFFE0]  }
0x74: {  	v14 =	vld [tilespmem:s28+$0x0]  }
0x75: {  	v8 =	vld [tilespmem:s29+$0xFFFFFFF0]  }
0x76: {  	v9 =	vld [tilespmem:s29+$0xFFFFFF90]  }
0x77: {  	v12 =	vld [tilespmem:s28+$0xFFFFFF90]  }
0x78: {  	v11 =	vld [tilespmem:s28+$0xFFFFFFA0]  }
0x79: {  	s26 =	simm.s32 $0x0;
	v10 =	vld [tilespmem:s28+$0xFFFFFFB0]  }
0x7a: {  	v15 =	vld.idx.msk [tilespmem:v0+s26+$0x0], $0xffff  }
0x7b: {  	v5 =	vld.idx.msk [tilespmem:v1+s26+$0x0], $0xffff  }
0x7c: {  	v4 =	vld.idx.msk [tilespmem:v2+s26+$0x0], $0xffff  }
0x7d: {  	v3 =	vld.idx.msk [tilespmem:v3+s26+$0x0], $0xffff  }
0x7e: {  	v2 =	vld.idx.msk [tilespmem:v6+s26+$0x0], $0xffff  }
0x7f: {  	v0 =	vld.idx.msk [tilespmem:v7+s26+$0x0], $0xffff  }
0x80: {  	v1 =	vld.idx.msk [tilespmem:v8+s26+$0x0], $0xffff  }
0x81: {  	v13 =	vld.idx.msk [tilespmem:v9+s26+$0x0], $0xffff  }
0x82: {  	v9 =	vld [tilespmem:s28+$0xFFFFFFC0]  }
0x83: {  	v8 =	vld [tilespmem:s28+$0xFFFFFFD0]  }
0x84: {  	v6 =	vld [tilespmem:s28+$0xFFFFFFE0]  }
0x85: {  	s30 =	simm.s32 $0x1B080;
	s29 =	simm.s32 $0x0;
	v7 =	vld [tilespmem:s28+$0xFFFFFFF0];
	[tilespmem:v14+s20+$0x0] =	vst.idx.msk $0xffff, v15  }
.LBB2_5:
0x86: {  	v14 =	vld [tilespmem:s30+$0x0];
	s29 =	sadd.s32 $0x8, s29;
	[tilespmem:v12+s20+$0x0] =	vst.idx.msk $0xffff, v13  }
0x87: {  	v12 =	vld [tilespmem:s30+$0xFFFFFFA0];
	p0 =	slt.u32 s29, $0x78  }
0x88: {  	v13 =	vld [tilespmem:s30+$0xFFFFFFB0];
	[tilespmem:v11+s20+$0x0] =	vst.idx.msk $0xffff, v5  }
0x89: {  	v11 =	vld [tilespmem:s30+$0xFFFFFFC0];
	[tilespmem:v10+s20+$0x0] =	vst.idx.msk $0xffff, v4  }
0x8a: {  	v10 =	vld [tilespmem:s30+$0xFFFFFFD0];
	[tilespmem:v9+s20+$0x0] =	vst.idx.msk $0xffff, v3  }
0x8b: {  	s28 =	sadd.s32 $0x80, s28;
	v9 =	vld [tilespmem:s30+$0xFFFFFFE0];
	[tilespmem:v8+s20+$0x0] =	vst.idx.msk $0xffff, v2  }
0x8c: {  	v8 =	vld [tilespmem:s28+$0x0];
	[tilespmem:v6+s20+$0x0] =	vst.idx.msk $0xffff, v0  }
0x8d: {  	v6 =	vld [tilespmem:s30+$0xFFFFFFF0];
	[tilespmem:v7+s20+$0x0] =	vst.idx.msk $0xffff, v1  }
0x8e: {  	v1 =	vld.idx.msk [tilespmem:v14+s26+$0x0], $0xffff  }
0x8f: {  	v7 =	vld [tilespmem:s30+$0xFFFFFF90]  }
0x90: {  	v5 =	vld.idx.msk [tilespmem:v12+s26+$0x0], $0xffff  }
0x91: {  	v4 =	vld.idx.msk [tilespmem:v13+s26+$0x0], $0xffff  }
0x92: {  	v3 =	vld.idx.msk [tilespmem:v11+s26+$0x0], $0xffff  }
0x93: {  	v2 =	vld.idx.msk [tilespmem:v10+s26+$0x0], $0xffff  }
0x94: {  	v0 =	vld.idx.msk [tilespmem:v9+s26+$0x0], $0xffff;
	[tilespmem:v8+s20+$0x0] =	vst.idx.msk $0xffff, v1  }
0x95: {  	v1 =	vld.idx.msk [tilespmem:v6+s26+$0x0], $0xffff  }
0x96: {  	v12 =	vld [tilespmem:s28+$0xFFFFFF90]  }
0x97: {  	v13 =	vld.idx.msk [tilespmem:v7+s26+$0x0], $0xffff  }
0x98: {  	v11 =	vld [tilespmem:s28+$0xFFFFFFA0]  }
.Ltmp1:
0x99: {  	v10 =	vld [tilespmem:s28+$0xFFFFFFB0];
	(pc) =	sbr.rel @p0 .LBB2_5-.Ltmp1, $4  }
0x9a: {  	v9 =	vld [tilespmem:s28+$0xFFFFFFC0]  }
0x9b: {  	v8 =	vld [tilespmem:s28+$0xFFFFFFD0]  }
0x9c: {  	v6 =	vld [tilespmem:s28+$0xFFFFFFE0]  }
0x9d: {  	s30 =	sadd.s32 $0x80, s30;
	v7 =	vld [tilespmem:s28+$0xFFFFFFF0]  }
0x9e: {  	_ =	sdelay $0x3  }
0x9f: {  	[tilespmem:v12+s20+$0x0] =	vst.idx.msk $0xffff, v13  }
0xa0: {  	[tilespmem:v11+s20+$0x0] =	vst.idx.msk $0xffff, v5  }
0xa1: {  	[tilespmem:v10+s20+$0x0] =	vst.idx.msk $0xffff, v4  }
0xa2: {  	[tilespmem:v9+s20+$0x0] =	vst.idx.msk $0xffff, v3  }
0xa3: {  	[tilespmem:v8+s20+$0x0] =	vst.idx.msk $0xffff, v2  }
0xa4: {  	[tilespmem:v6+s20+$0x0] =	vst.idx.msk $0xffff, v0  }
0xa5: {  	[tilespmem:v7+s20+$0x0] =	vst.idx.msk $0xffff, v1  }
.LBB2_7:
0xa6: {  	s28 =	sshra.s32 s26, $0x2  }
0xa7: {  	v0 =	vld [tilespmem:s28+$0x1B790];
	_ =	sdelay $0x4  }
0xa8: {  	v1 =	vld [tilespmem:s28+$0x1D810];
	_ =	sdelay $0x2  }
0xa9: {  	p0 =	sne.s32 s26, $0x100;
	v0 =	vld.idx.msk [tilespmem:v0+s3+$0x0], $0xffff  }
.Ltmp2:
0xaa: {  	_ = 	snop;
	(pc) =	sbr.rel @p0 .LBB2_7-.Ltmp2, $2  }
0xab: {  	_ =	sdelay $0x2  }
0xac: {  	s26 =	sadd.s32 $0x40, s26;
	[tilespmem:v1+s20+$0x0] =	vst.idx.msk $0xffff, v0  }
0xad: {  	_ =	swait.ge [sflag:s19], $0x6200  }
0xae: {  	[sflag:s19] =	ssyncset.done $0x0  }
0xaf: {  	s29 =	simm.s32 $0x1B850;
	[sflag:s19] =	ssyncadd.s32 $0xFFFF9E00  }
0xb0: {  	v0 =	vld [tilespmem:s29+$0x0]  }
0xb1: {  	v1 =	vld [tilespmem:s29+$0xFFFFFFA0]  }
0xb2: {  	v2 =	vld [tilespmem:s29+$0xFFFFFFB0]  }
0xb3: {  	v3 =	vld [tilespmem:s29+$0xFFFFFFC0]  }
0xb4: {  	v6 =	vld [tilespmem:s29+$0xFFFFFFD0]  }
0xb5: {  	s28 =	simm.s32 $0x1D8D0;
	v7 =	vld [tilespmem:s29+$0xFFFFFFE0]  }
0xb6: {  	v14 =	vld [tilespmem:s28+$0x0]  }
0xb7: {  	v8 =	vld [tilespmem:s29+$0xFFFFFFF0]  }
0xb8: {  	v9 =	vld [tilespmem:s29+$0xFFFFFF90]  }
0xb9: {  	v12 =	vld [tilespmem:s28+$0xFFFFFF90]  }
0xba: {  	v11 =	vld [tilespmem:s28+$0xFFFFFFA0]  }
0xbb: {  	s26 =	simm.s32 $0x0;
	v10 =	vld [tilespmem:s28+$0xFFFFFFB0]  }
0xbc: {  	v15 =	vld.idx.msk [tilespmem:v0+s26+$0x0], $0xffff  }
0xbd: {  	v5 =	vld.idx.msk [tilespmem:v1+s26+$0x0], $0xffff  }
0xbe: {  	v4 =	vld.idx.msk [tilespmem:v2+s26+$0x0], $0xffff  }
0xbf: {  	v3 =	vld.idx.msk [tilespmem:v3+s26+$0x0], $0xffff  }
0xc0: {  	v2 =	vld.idx.msk [tilespmem:v6+s26+$0x0], $0xffff  }
0xc1: {  	v0 =	vld.idx.msk [tilespmem:v7+s26+$0x0], $0xffff  }
0xc2: {  	v1 =	vld.idx.msk [tilespmem:v8+s26+$0x0], $0xffff  }
0xc3: {  	v13 =	vld.idx.msk [tilespmem:v9+s26+$0x0], $0xffff  }
0xc4: {  	v9 =	vld [tilespmem:s28+$0xFFFFFFC0]  }
0xc5: {  	v8 =	vld [tilespmem:s28+$0xFFFFFFD0]  }
0xc6: {  	v6 =	vld [tilespmem:s28+$0xFFFFFFE0]  }
0xc7: {  	s30 =	simm.s32 $0x1B8D0;
	s29 =	simm.s32 $0x0;
	v7 =	vld [tilespmem:s28+$0xFFFFFFF0];
	[tilespmem:v14+s20+$0x0] =	vst.idx.msk $0xffff, v15  }
.LBB2_9:
0xc8: {  	v14 =	vld [tilespmem:s30+$0x0];
	s29 =	sadd.s32 $0x8, s29;
	[tilespmem:v12+s20+$0x0] =	vst.idx.msk $0xffff, v13  }
0xc9: {  	v12 =	vld [tilespmem:s30+$0xFFFFFFA0];
	p0 =	slt.u32 s29, $0x78  }
0xca: {  	v13 =	vld [tilespmem:s30+$0xFFFFFFB0];
	[tilespmem:v11+s20+$0x0] =	vst.idx.msk $0xffff, v5  }
0xcb: {  	v11 =	vld [tilespmem:s30+$0xFFFFFFC0];
	[tilespmem:v10+s20+$0x0] =	vst.idx.msk $0xffff, v4  }
0xcc: {  	v10 =	vld [tilespmem:s30+$0xFFFFFFD0];
	[tilespmem:v9+s20+$0x0] =	vst.idx.msk $0xffff, v3  }
0xcd: {  	s28 =	sadd.s32 $0x80, s28;
	v9 =	vld [tilespmem:s30+$0xFFFFFFE0];
	[tilespmem:v8+s20+$0x0] =	vst.idx.msk $0xffff, v2  }
0xce: {  	v8 =	vld [tilespmem:s28+$0x0];
	[tilespmem:v6+s20+$0x0] =	vst.idx.msk $0xffff, v0  }
0xcf: {  	v6 =	vld [tilespmem:s30+$0xFFFFFFF0];
	[tilespmem:v7+s20+$0x0] =	vst.idx.msk $0xffff, v1  }
0xd0: {  	v1 =	vld.idx.msk [tilespmem:v14+s26+$0x0], $0xffff  }
0xd1: {  	v7 =	vld [tilespmem:s30+$0xFFFFFF90]  }
0xd2: {  	v5 =	vld.idx.msk [tilespmem:v12+s26+$0x0], $0xffff  }
0xd3: {  	v4 =	vld.idx.msk [tilespmem:v13+s26+$0x0], $0xffff  }
0xd4: {  	v3 =	vld.idx.msk [tilespmem:v11+s26+$0x0], $0xffff  }
0xd5: {  	v2 =	vld.idx.msk [tilespmem:v10+s26+$0x0], $0xffff  }
0xd6: {  	v0 =	vld.idx.msk [tilespmem:v9+s26+$0x0], $0xffff;
	[tilespmem:v8+s20+$0x0] =	vst.idx.msk $0xffff, v1  }
0xd7: {  	v1 =	vld.idx.msk [tilespmem:v6+s26+$0x0], $0xffff  }
0xd8: {  	v12 =	vld [tilespmem:s28+$0xFFFFFF90]  }
0xd9: {  	v13 =	vld.idx.msk [tilespmem:v7+s26+$0x0], $0xffff  }
0xda: {  	v11 =	vld [tilespmem:s28+$0xFFFFFFA0]  }
.Ltmp3:
0xdb: {  	v10 =	vld [tilespmem:s28+$0xFFFFFFB0];
	(pc) =	sbr.rel @p0 .LBB2_9-.Ltmp3, $4  }
0xdc: {  	v9 =	vld [tilespmem:s28+$0xFFFFFFC0]  }
0xdd: {  	v8 =	vld [tilespmem:s28+$0xFFFFFFD0]  }
0xde: {  	v6 =	vld [tilespmem:s28+$0xFFFFFFE0]  }
0xdf: {  	s30 =	sadd.s32 $0x80, s30;
	v7 =	vld [tilespmem:s28+$0xFFFFFFF0]  }
0xe0: {  	_ =	sdelay $0x3  }
0xe1: {  	[tilespmem:v12+s20+$0x0] =	vst.idx.msk $0xffff, v13  }
0xe2: {  	[tilespmem:v11+s20+$0x0] =	vst.idx.msk $0xffff, v5  }
0xe3: {  	[tilespmem:v10+s20+$0x0] =	vst.idx.msk $0xffff, v4  }
0xe4: {  	[tilespmem:v9+s20+$0x0] =	vst.idx.msk $0xffff, v3  }
0xe5: {  	[tilespmem:v8+s20+$0x0] =	vst.idx.msk $0xffff, v2  }
0xe6: {  	[tilespmem:v6+s20+$0x0] =	vst.idx.msk $0xffff, v0  }
0xe7: {  	[tilespmem:v7+s20+$0x0] =	vst.idx.msk $0xffff, v1  }
.LBB2_11:
0xe8: {  	s28 =	sshra.s32 s26, $0x2  }
0xe9: {  	v0 =	vld [tilespmem:s28+$0x1BFE0];
	_ =	sdelay $0x4  }
0xea: {  	v1 =	vld [tilespmem:s28+$0x1E060];
	_ =	sdelay $0x2  }
0xeb: {  	p0 =	sne.s32 s26, $0x40;
	v0 =	vld.idx.msk [tilespmem:v0+s3+$0x0], $0xffff  }
.Ltmp4:
0xec: {  	_ = 	snop;
	(pc) =	sbr.rel @p0 .LBB2_11-.Ltmp4, $2  }
0xed: {  	_ =	sdelay $0x2  }
0xee: {  	s26 =	sadd.s32 $0x40, s26;
	[tilespmem:v1+s20+$0x0] =	vst.idx.msk $0xffff, v0  }
0xef: {  	_ =	swait.ge [sflag:s19], $0x6080  }
0xf0: {  	[sflag:s19] =	ssyncset.done $0x0  }
0xf1: {  	[sflag:s19] =	ssyncadd.s32 $0xFFFF9F80  }
0xf2: {  	_ =	swait.ge [sflag:s19], $0x80  }
0xf3: {  	[sflag:s19] =	ssyncset.done $0x0  }
0xf4: {  	s29 =	simm.s32 $0x1C070;
	[sflag:s19] =	ssyncadd.s32 $0xFFFFFF80  }
0xf5: {  	v0 =	vld [tilespmem:s29+$0x0]  }
0xf6: {  	v1 =	vld [tilespmem:s29+$0xFFFFFFA0]  }
0xf7: {  	v2 =	vld [tilespmem:s29+$0xFFFFFFB0]  }
0xf8: {  	v3 =	vld [tilespmem:s29+$0xFFFFFFC0]  }
0xf9: {  	v6 =	vld [tilespmem:s29+$0xFFFFFFD0]  }
0xfa: {  	s28 =	simm.s32 $0x1E0F0;
	v7 =	vld [tilespmem:s29+$0xFFFFFFE0]  }
0xfb: {  	v14 =	vld [tilespmem:s28+$0x0]  }
0xfc: {  	v8 =	vld [tilespmem:s29+$0xFFFFFFF0]  }
0xfd: {  	v9 =	vld [tilespmem:s29+$0xFFFFFF90]  }
0xfe: {  	v12 =	vld [tilespmem:s28+$0xFFFFFF90]  }
0xff: {  	v11 =	vld [tilespmem:s28+$0xFFFFFFA0]  }
0x100: {  	s26 =	simm.s32 $0x0;
	v10 =	vld [tilespmem:s28+$0xFFFFFFB0]  }
0x101: {  	v15 =	vld.idx.msk [tilespmem:v0+s26+$0x0], $0xffff  }
0x102: {  	v5 =	vld.idx.msk [tilespmem:v1+s26+$0x0], $0xffff  }
0x103: {  	v4 =	vld.idx.msk [tilespmem:v2+s26+$0x0], $0xffff  }
0x104: {  	v3 =	vld.idx.msk [tilespmem:v3+s26+$0x0], $0xffff  }
0x105: {  	v2 =	vld.idx.msk [tilespmem:v6+s26+$0x0], $0xffff  }
0x106: {  	v0 =	vld.idx.msk [tilespmem:v7+s26+$0x0], $0xffff  }
0x107: {  	v1 =	vld.idx.msk [tilespmem:v8+s26+$0x0], $0xffff  }
0x108: {  	v13 =	vld.idx.msk [tilespmem:v9+s26+$0x0], $0xffff  }
0x109: {  	v9 =	vld [tilespmem:s28+$0xFFFFFFC0]  }
0x10a: {  	v8 =	vld [tilespmem:s28+$0xFFFFFFD0]  }
0x10b: {  	v6 =	vld [tilespmem:s28+$0xFFFFFFE0]  }
0x10c: {  	s30 =	simm.s32 $0x1C0F0;
	s29 =	simm.s32 $0x0;
	v7 =	vld [tilespmem:s28+$0xFFFFFFF0];
	[tilespmem:v14+s20+$0x0] =	vst.idx.msk $0xffff, v15  }
.LBB2_13:
0x10d: {  	v14 =	vld [tilespmem:s30+$0x0];
	s29 =	sadd.s32 $0x8, s29;
	[tilespmem:v12+s20+$0x0] =	vst.idx.msk $0xffff, v13  }
0x10e: {  	v12 =	vld [tilespmem:s30+$0xFFFFFFA0];
	p0 =	slt.u32 s29, $0x70  }
0x10f: {  	v13 =	vld [tilespmem:s30+$0xFFFFFFB0];
	[tilespmem:v11+s20+$0x0] =	vst.idx.msk $0xffff, v5  }
0x110: {  	v11 =	vld [tilespmem:s30+$0xFFFFFFC0];
	[tilespmem:v10+s20+$0x0] =	vst.idx.msk $0xffff, v4  }
0x111: {  	v10 =	vld [tilespmem:s30+$0xFFFFFFD0];
	[tilespmem:v9+s20+$0x0] =	vst.idx.msk $0xffff, v3  }
0x112: {  	s28 =	sadd.s32 $0x80, s28;
	v9 =	vld [tilespmem:s30+$0xFFFFFFE0];
	[tilespmem:v8+s20+$0x0] =	vst.idx.msk $0xffff, v2  }
0x113: {  	v8 =	vld [tilespmem:s28+$0x0];
	[tilespmem:v6+s20+$0x0] =	vst.idx.msk $0xffff, v0  }
0x114: {  	v6 =	vld [tilespmem:s30+$0xFFFFFFF0];
	[tilespmem:v7+s20+$0x0] =	vst.idx.msk $0xffff, v1  }
0x115: {  	v1 =	vld.idx.msk [tilespmem:v14+s26+$0x0], $0xffff  }
0x116: {  	v7 =	vld [tilespmem:s30+$0xFFFFFF90]  }
0x117: {  	v5 =	vld.idx.msk [tilespmem:v12+s26+$0x0], $0xffff  }
0x118: {  	v4 =	vld.idx.msk [tilespmem:v13+s26+$0x0], $0xffff  }
0x119: {  	v3 =	vld.idx.msk [tilespmem:v11+s26+$0x0], $0xffff  }
0x11a: {  	v2 =	vld.idx.msk [tilespmem:v10+s26+$0x0], $0xffff  }
0x11b: {  	v0 =	vld.idx.msk [tilespmem:v9+s26+$0x0], $0xffff;
	[tilespmem:v8+s20+$0x0] =	vst.idx.msk $0xffff, v1  }
0x11c: {  	v1 =	vld.idx.msk [tilespmem:v6+s26+$0x0], $0xffff  }
0x11d: {  	v12 =	vld [tilespmem:s28+$0xFFFFFF90]  }
0x11e: {  	v13 =	vld.idx.msk [tilespmem:v7+s26+$0x0], $0xffff  }
0x11f: {  	v11 =	vld [tilespmem:s28+$0xFFFFFFA0]  }
.Ltmp5:
0x120: {  	v10 =	vld [tilespmem:s28+$0xFFFFFFB0];
	(pc) =	sbr.rel @p0 .LBB2_13-.Ltmp5, $4  }
0x121: {  	v9 =	vld [tilespmem:s28+$0xFFFFFFC0]  }
0x122: {  	v8 =	vld [tilespmem:s28+$0xFFFFFFD0]  }
0x123: {  	v6 =	vld [tilespmem:s28+$0xFFFFFFE0]  }
0x124: {  	s30 =	sadd.s32 $0x80, s30;
	v7 =	vld [tilespmem:s28+$0xFFFFFFF0]  }
0x125: {  	_ =	sdelay $0x3  }
0x126: {  	[tilespmem:v12+s20+$0x0] =	vst.idx.msk $0xffff, v13  }
0x127: {  	[tilespmem:v11+s20+$0x0] =	vst.idx.msk $0xffff, v5  }
0x128: {  	[tilespmem:v10+s20+$0x0] =	vst.idx.msk $0xffff, v4  }
0x129: {  	[tilespmem:v9+s20+$0x0] =	vst.idx.msk $0xffff, v3  }
0x12a: {  	[tilespmem:v8+s20+$0x0] =	vst.idx.msk $0xffff, v2  }
0x12b: {  	[tilespmem:v6+s20+$0x0] =	vst.idx.msk $0xffff, v0  }
0x12c: {  	[tilespmem:v7+s20+$0x0] =	vst.idx.msk $0xffff, v1  }
.LBB2_15:
0x12d: {  	s28 =	sshra.s32 s26, $0x2  }
0x12e: {  	v0 =	vld [tilespmem:s28+$0x1C780];
	_ =	sdelay $0x4  }
0x12f: {  	v1 =	vld [tilespmem:s28+$0x1E800];
	_ =	sdelay $0x2  }
0x130: {  	p0 =	sne.s32 s26, $0x40;
	v0 =	vld.idx.msk [tilespmem:v0+s3+$0x0], $0xffff  }
.Ltmp6:
0x131: {  	_ = 	snop;
	(pc) =	sbr.rel @p0 .LBB2_15-.Ltmp6, $2  }
0x132: {  	_ =	sdelay $0x2  }
0x133: {  	s26 =	sadd.s32 $0x40, s26;
	[tilespmem:v1+s20+$0x0] =	vst.idx.msk $0xffff, v0  }
0x134: {  	s23 =	sshll.u32 s23, $0x11;
	s24 =	sshll.u32 s24, $0x10  }
0x135: {  	s23 =	sor.u32 s23, s24  }
0x136: {  	s22 =	sadd.s32 $0x1, s22;
	s23 =	sor.u32 s25, s23  }
0x137: {  	p0 =	sne.s32 s22, $0x3;
	s23 =	sshrl.u32 s23, $0x3  }
.Ltmp7:
0x138: {  	s23 =	sadd.s32 s2, s23;
	(pc) =	sbr.rel @p0 .LBB2_2-.Ltmp7, $4  }
0x139: {  	[hbm4b:s23+s13] =	stream.strided.scatter [tilespmem:s20], [sflag:$0x2], $0x2000, s14, s13, $0x38;
	[tilespmem:$0x1E880] =	vst v63  }
0x13a: {  	_ =	swait.ge [sflag:s11], $0x2000  }
0x13b: {  	[sflag:s11] =	ssyncset.done $0x0  }
0x13c: {  	[sflag:s11] =	ssyncadd.s32 $0xFFFFE000  }
0x13d: {  	s21 =	sadd.s32 $0x1, s21  }
0x13e: {  	p0 =	sne.s32 s21, s9  }
.Ltmp8:
0x13f: {  	_ = 	snop;
	(pc) =	sbr.rel @p0 .LBB2_1-.Ltmp8, $1  }
0x140: {  	_ =	sdelay $0x3  }
0x141: {  	_ =	sfence.sel $0x180000  }
0x142: {  	[bflag:$0x0] =	sbarrier.arrive $0xFFFF  }
0x143: {  	p0 =	sne.s32 s4, $0x0;
	_ =	strace $0x90000047  }
0x144: {  	s0 =	sadd.s32 @!p0 $0x100000, s0;
	[bflag:$0x2] =	sbarrier.arrive $0xFFFF  }
0x145: {  	[sflag:s0] =	ssyncadd.tile.s32 @!p0 $0x1;
	_ =	shalt  }
.Lfunc_end2:
_tile_overlayer_lowered:
.L_overlay_start_2:
0x146: {  	(tag) =	ssettag $0x2  }
0x147: {  	s0 =	rddreg [dreg:$0x0];
	s2 =	stileid.u32  }
0x148: {  	s1 =	rddreg [dreg:$0x1];
	p0 =	sne.s32 s2, $0x0  }
0x149: {  	s3 =	rddreg [dreg:$0x2];
	[bflag:$0x3] =	sbarrier.arrive $0xFFFF;
	s2 =	simm.s32 @!p0 $0x1C02  }
0x14a: {  	[timem:s3], [sflag:s2] =	dma.local @!p0 [hbm:s0], s1  }
0x14b: {  	s0 =	simm.s32 @!p0 $0x2  }
0x14c: {  	_ =	swait.ge @!p0 [sflag:s0], s1  }
0x14d: {  	s1 =	ssub.s32 @!p0 $0x0, s1;
	[sflag:s0] =	ssyncset.done @!p0 $0x0  }
0x14e: {  	[sflag:s0] =	ssyncadd.s32 @!p0 s1  }
0x14f: {  	[bflag:$0x3] =	sbarrier.arrive $0xFFFF  }
0x150: {  	_ =	shalt  }

</sc_bundles>
